<compile_context>
chip_gen: v7x
topology: tpu7x:2x2x1
jax: 0.10.2.dev20260603
libtpu: 0.0.44.dev20260713+nightly
codegen_flags: <defaults>
</compile_context>

<pallas_src>
import functools

import jax
import jax.numpy as jnp
from jax import lax
from jax.experimental import pallas as pl
from jax.experimental.pallas import tpu as pltpu
from jax.experimental.pallas import tpu_sc as plsc

_NUM_NODES = 32
_NODE_DIM = 64
_K = 8
_PAIR = 2 * _NODE_DIM


_ROWS_BLK = 8192
_TOK_BLK = _ROWS_BLK // _NUM_NODES


def _score_topk_body(x_ref, w1_ref, b1_ref, w2_ref, b2_ref, idx_ref):
    xb = x_ref[...]
    h = xb @ w1_ref[...] + b1_ref[...]
    h = 0.5 * h * (1.0 + lax.erf(h * (2.0 ** -0.5)))
    s = h @ w2_ref[...] + b2_ref[...]
    sc = s.reshape(_TOK_BLK, _NUM_NODES)

    lane = lax.broadcasted_iota(jnp.int32, sc.shape, 1)
    cols = []
    vals = sc
    for _ in range(_K):
        m = jnp.max(vals, axis=1, keepdims=True)
        is_max = vals >= m
        cand = jnp.where(is_max, lane, _NUM_NODES)
        k_idx = jnp.min(cand, axis=1, keepdims=True)
        cols.append(k_idx)
        vals = jnp.where(lane == k_idx, -jnp.inf, vals)
    idx = jnp.concatenate(cols, axis=1)

    tok0 = pl.program_id(0) * _TOK_BLK
    rows = tok0 + lax.broadcasted_iota(jnp.int32, (_TOK_BLK, _K), 0)
    idx_ref[...] = rows * _NUM_NODES + idx


def _score_topk(x2, W1, b1, W2, b2):
    n_rows = x2.shape[0]
    grid = n_rows // _ROWS_BLK
    return pl.pallas_call(
        _score_topk_body,
        grid=(grid,),
        in_specs=[
            pl.BlockSpec((_ROWS_BLK, _NODE_DIM), lambda i: (i, 0)),
            pl.BlockSpec((_NODE_DIM, 32), lambda i: (0, 0)),
            pl.BlockSpec((1, 32), lambda i: (0, 0)),
            pl.BlockSpec((32, 1), lambda i: (0, 0)),
            pl.BlockSpec((1, 1), lambda i: (0, 0)),
        ],
        out_specs=pl.BlockSpec((_TOK_BLK, _K), lambda i: (i, 0)),
        out_shape=jax.ShapeDtypeStruct((n_rows // _NUM_NODES, _K), jnp.int32),
    )(x2, W1, b1, W2, b2)



_CHUNK = 128


def _sc_gather(table, idx):
    info = plsc.get_sparse_core_info()
    nw = info.num_cores * info.num_subcores
    rows = idx.shape[0]
    b_per_w = rows // nw
    n_chunks = b_per_w // _CHUNK
    mesh = plsc.VectorSubcoreMesh(core_axis_name="c", subcore_axis_name="s")

    @functools.partial(
        pl.kernel,
        mesh=mesh,
        out_type=jax.ShapeDtypeStruct((rows, _PAIR), jnp.float32),
        scratch_types=[
            pltpu.VMEM((_CHUNK,), jnp.int32),
            pltpu.VMEM((_CHUNK, _PAIR), jnp.float32),
            pltpu.SemaphoreType.DMA,
        ],
    )
    def gather_kernel(table_hbm, idx_hbm, out_hbm, idx_v, rows_v, sem):
        wid = lax.axis_index("s") * info.num_cores + lax.axis_index("c")
        base = wid * b_per_w

        def body(c, _):
            off = base + c * _CHUNK
            pltpu.sync_copy(idx_hbm.at[pl.ds(off, _CHUNK)], idx_v)
            pltpu.async_copy(table_hbm.at[idx_v], rows_v, sem).wait()
            pltpu.sync_copy(rows_v, out_hbm.at[pl.ds(off, _CHUNK)])
            return 0

        lax.fori_loop(0, n_chunks, body, 0)

    return gather_kernel(table, idx)



_PROJ_BLK = 512


def _proj_body(w_ref, i_ref, wp_ref, bp_ref, o_ref):
    wide = w_ref[...]
    fidx = i_ref[...]
    parts = []
    for k in range(_K):
        low = wide[:, k * _PAIR: k * _PAIR + _NODE_DIM]
        high = wide[:, k * _PAIR + _NODE_DIM: (k + 1) * _PAIR]
        odd = (fidx[:, k: k + 1] & 1) == 1
        parts.append(jnp.where(odd, high, low))
    pooled = jnp.concatenate(parts, axis=1)
    o_ref[...] = pooled @ wp_ref[...] + bp_ref[...]


def _projection(wide, flat_idx, Wp, bp):
    n_tok = wide.shape[0]
    d = Wp.shape[1]
    grid = n_tok // _PROJ_BLK
    return pl.pallas_call(
        _proj_body,
        grid=(grid,),
        in_specs=[
            pl.BlockSpec((_PROJ_BLK, _K * _PAIR), lambda i: (i, 0)),
            pl.BlockSpec((_PROJ_BLK, _K), lambda i: (i, 0)),
            pl.BlockSpec((_K * _NODE_DIM, d), lambda i: (0, 0)),
            pl.BlockSpec((1, d), lambda i: (0, 0)),
        ],
        out_specs=pl.BlockSpec((_PROJ_BLK, d), lambda i: (i, 0)),
        out_shape=jax.ShapeDtypeStruct((n_tok, d), jnp.float32),
    )(wide, flat_idx, Wp, bp)




def kernel(graph_features, W1, b1, W2, b2, Wp, bp):
    bsz, seqlen, dmodel = graph_features.shape
    n_tok = bsz * seqlen
    x2 = graph_features.reshape(n_tok * _NUM_NODES, _NODE_DIM)

    flat_idx = _score_topk(
        x2, W1, b1.reshape(1, -1), W2, b2.reshape(1, 1)
    )

    pairs = graph_features.reshape(n_tok * _NUM_NODES // 2, _PAIR)
    wide_rows = _sc_gather(pairs, (flat_idx >> 1).reshape(-1))
    wide = wide_rows.reshape(n_tok, _K * _PAIR)

    out = _projection(wide, flat_idx, Wp, bp.reshape(1, -1))
    return out.reshape(bsz, seqlen, dmodel)

# --- scband reference (transcript-rebuilt; emitter-appended) ---
"""Pipeline reference for scband-post-processing-module-11965778887099 (READ-ONLY COPY).

The authoritative reference and input builder live on the scoring server;
editing this copy changes nothing except your own understanding.
"""

import jax, jax.numpy as jnp
import numpy as np

B, S, D = 4, 2048, 2048
NUM_NODES = 32
NODE_DIM = D // NUM_NODES  # 64
K = 8
TEMP = 1.0
HID = max(1, NODE_DIM // 2)  # 32


def setup_inputs(seed: int = 0) -> dict:
    key = jax.random.key(seed)
    ks = jax.random.split(key, 8)
    graph_features = jax.random.normal(ks[0], (B, S, D), dtype=jnp.float32)
    # node_score MLP: Linear(node_dim, hid) -> GELU -> Linear(hid, 1)
    W1 = jax.random.normal(ks[1], (NODE_DIM, HID), dtype=jnp.float32) * (1.0 / np.sqrt(NODE_DIM))
    b1 = jnp.zeros((HID,), dtype=jnp.float32)
    W2 = jax.random.normal(ks[2], (HID, 1), dtype=jnp.float32) * (1.0 / np.sqrt(HID))
    b2 = jnp.zeros((1,), dtype=jnp.float32)
    # topk_projection: Linear(K * node_dim, d_model)
    Wp = jax.random.normal(ks[3], (K * NODE_DIM, D), dtype=jnp.float32) * (1.0 / np.sqrt(K * NODE_DIM))
    bp = jnp.zeros((D,), dtype=jnp.float32)
    return {"graph_features": graph_features, "W1": W1, "b1": b1, "W2": W2, "b2": b2, "Wp": Wp, "bp": bp}


def reference(graph_features, W1, b1, W2, b2, Wp, bp):
    bsz, seqlen, dmodel = graph_features.shape
    per_node = graph_features.reshape(bsz, seqlen, NUM_NODES, NODE_DIM)
    h = jax.nn.gelu(per_node @ W1 + b1, approximate=False)
    scores = (h @ W2 + b2)[..., 0]  # [B, S, NUM_NODES]
    attention_weights = jax.nn.softmax(scores / TEMP, axis=-1)
    topk_attention, topk_idx = jax.lax.top_k(attention_weights, K)  # [B, S, K]
    idx_expanded = topk_idx[..., None]  # [B, S, K, 1]
    topk_nodes = jnp.take_along_axis(per_node, idx_expanded, axis=2)  # [B, S, K, NODE_DIM]
    pooled = topk_nodes.reshape(bsz, seqlen, K * NODE_DIM)
    out = pooled @ Wp + bp
    return out

if __name__ == "__main__":
    import jax
    _d = setup_inputs()
    print(jax.jit(kernel)(*tuple(_d.values())))

</pallas_src>

<mosaic_0001>
#map = affine_map<(d0, d1) -> (0, 0)>
#map1 = affine_map<(d0, d1) -> (0)>
module attributes {stable_mosaic.version = 14 : i64} {
  func.func @gather_kernel(%arg0: i32, %arg1: i32, %arg2: memref<131072x128xf32, #tpu.memory_space<hbm>>, %arg3: memref<65536xi32, #tpu.memory_space<hbm>>, %arg4: memref<65536x128xf32, #tpu.memory_space<hbm>>, %arg5: memref<128xi32, #tpu.memory_space<vmem>>, %arg6: memref<128x128xf32, #tpu.memory_space<vmem>>, %arg7: memref<!tpu.dma_semaphore, #tpu.memory_space<semaphore_mem>>) attributes {dimension_semantics = [#tpu.dimension_semantics<core_parallel>, #tpu.dimension_semantics<subcore_parallel>], iteration_bounds = array<i64: 2, 16>, scalar_prefetch = 0 : i64, scratch_operands = 3 : i64, tpu.core_type = #tpu.core_type<sc_vector_subcore>, window_params = [{transform_indices = #map}, {transform_indices = #map1}, {transform_indices = #map}]} {
    %mul3A = arith.constant 2 : i32
    %mul3A_0 = arith.muli %arg1, %mul3A : i32
    %add3A = arith.addi %mul3A_0, %arg0 : i32
    %mul3A_1 = arith.constant 2048 : i32
    %mul3A_2 = arith.muli %add3A, %mul3A_1 : i32
    %scan3A = arith.constant 0 : i32
    %scan3A_3 = arith.constant 0 : i32
    %scan3A_4 = arith.constant 16 : i32
    %scan3A_5 = arith.addi %scan3A_3, %scan3A_4 : i32
    %scan3A_6 = arith.constant 1 : i32
    %scan3A_7 = scf.for %scan3A_9 = %scan3A_3 to %scan3A_5 step %scan3A_6 iter_args(%scan3A_10 = %scan3A) -> (i32)  : i32 {
      %mul3A_11 = arith.constant 128 : i32
      %mul3A_12 = arith.muli %scan3A_9, %mul3A_11 : i32
      %add3A_13 = arith.addi %mul3A_2, %mul3A_12 : i32
      "tpu.region"() ({
        %run_scoped3A = tpu.sem_alloc : memref<!tpu.dma_semaphore, #tpu.memory_space<semaphore_mem>>
        %dma_start3A_19 = tpu.memref_slice %arg3[%add3A_13] : memref<65536xi32, #tpu.memory_space<hbm>> -> memref<128xi32, #tpu.memory_space<hbm>>
        %dma_start3A_20 = tpu.memref_slice %arg3[%add3A_13] : memref<65536xi32, #tpu.memory_space<hbm>> -> memref<128xi32, #tpu.memory_space<hbm>>
        tpu.enqueue_dma source(%dma_start3A_20 : memref<128xi32, #tpu.memory_space<hbm>>) target(%arg5 : memref<128xi32, #tpu.memory_space<vmem>>) target_semaphore(%run_scoped3A : memref<!tpu.dma_semaphore, #tpu.memory_space<semaphore_mem>>)
        %dma_wait3A_21 = tpu.memref_slice %arg3[%add3A_13] : memref<65536xi32, #tpu.memory_space<hbm>> -> memref<128xi32, #tpu.memory_space<hbm>>
        %dma_wait3A_22 = tpu.memref_slice %arg3[%add3A_13] : memref<65536xi32, #tpu.memory_space<hbm>> -> memref<128xi32, #tpu.memory_space<hbm>>
        tpu.wait_dma2 semaphore(%run_scoped3A : memref<!tpu.dma_semaphore, #tpu.memory_space<semaphore_mem>>) src(%dma_wait3A_22 : memref<128xi32, #tpu.memory_space<hbm>>) dst(%arg5 : memref<128xi32, #tpu.memory_space<vmem>>)
        tpu.yield
      }) : () -> ()
      %dma_start3A = arith.constant 0 : i32
      %dma_start3A_14 = arith.constant 0 : i32
      %dma_start3A_15 = tpu.memref_slice %arg2[%dma_start3A, %dma_start3A_14] : memref<131072x128xf32, #tpu.memory_space<hbm>> -> memref<131072x128xf32, #tpu.memory_space<hbm>>
      tpu.enqueue_indirect_dma source(%dma_start3A_15 : memref<131072x128xf32, #tpu.memory_space<hbm>>) target(%arg6 : memref<128x128xf32, #tpu.memory_space<vmem>>) offsets(%arg5 : memref<128xi32, #tpu.memory_space<vmem>>) semaphore(%arg7 : memref<!tpu.dma_semaphore, #tpu.memory_space<semaphore_mem>>)
      %dma_wait3A = arith.constant 0 : i32
      %dma_wait3A_16 = arith.constant 0 : i32
      %dma_wait3A_17 = tpu.memref_slice %arg2[%dma_wait3A, %dma_wait3A_16] : memref<131072x128xf32, #tpu.memory_space<hbm>> -> memref<131072x128xf32, #tpu.memory_space<hbm>>
      tpu.wait_indirect_dma semaphore(%arg7 : memref<!tpu.dma_semaphore, #tpu.memory_space<semaphore_mem>>) src(%dma_wait3A_17 : memref<131072x128xf32, #tpu.memory_space<hbm>>) dst(%arg6 : memref<128x128xf32, #tpu.memory_space<vmem>>)
      "tpu.region"() ({
        %run_scoped3A = tpu.sem_alloc : memref<!tpu.dma_semaphore, #tpu.memory_space<semaphore_mem>>
        %dma_start3A_19 = arith.constant 0 : i32
        %dma_start3A_20 = tpu.memref_slice %arg4[%add3A_13, %dma_start3A_19] : memref<65536x128xf32, #tpu.memory_space<hbm>> -> memref<128x128xf32, #tpu.memory_space<hbm>>
        %dma_start3A_21 = arith.constant 0 : i32
        %dma_start3A_22 = tpu.memref_slice %arg4[%add3A_13, %dma_start3A_21] : memref<65536x128xf32, #tpu.memory_space<hbm>> -> memref<128x128xf32, #tpu.memory_space<hbm>>
        tpu.enqueue_dma source(%arg6 : memref<128x128xf32, #tpu.memory_space<vmem>>) target(%dma_start3A_22 : memref<128x128xf32, #tpu.memory_space<hbm>>) target_semaphore(%run_scoped3A : memref<!tpu.dma_semaphore, #tpu.memory_space<semaphore_mem>>)
        %dma_wait3A_23 = arith.constant 0 : i32
        %dma_wait3A_24 = tpu.memref_slice %arg4[%add3A_13, %dma_wait3A_23] : memref<65536x128xf32, #tpu.memory_space<hbm>> -> memref<128x128xf32, #tpu.memory_space<hbm>>
        %dma_wait3A_25 = arith.constant 0 : i32
        %dma_wait3A_26 = tpu.memref_slice %arg4[%add3A_13, %dma_wait3A_25] : memref<65536x128xf32, #tpu.memory_space<hbm>> -> memref<128x128xf32, #tpu.memory_space<hbm>>
        tpu.wait_dma2 semaphore(%run_scoped3A : memref<!tpu.dma_semaphore, #tpu.memory_space<semaphore_mem>>) src(%arg6 : memref<128x128xf32, #tpu.memory_space<vmem>>) dst(%dma_wait3A_26 : memref<128x128xf32, #tpu.memory_space<hbm>>)
        tpu.yield
      }) : () -> ()
      %scan3A_18 = arith.constant 0 : i32
      scf.yield %scan3A_18 : i32
    }
    %scan3A_8 = arith.constant 16 : i32
    return
  }
}

module attributes {stable_mosaic.version = 14 : i64} {
  func.func @_score_topk_body(%arg0: i32, %arg1: memref<8192x64xf32, #tpu.memory_space<vmem>>, %arg2: memref<64x32xf32, #tpu.memory_space<vmem>>, %arg3: memref<1x32xf32, #tpu.memory_space<vmem>>, %arg4: memref<32x1xf32, #tpu.memory_space<vmem>>, %arg5: memref<1x1xf32, #tpu.memory_space<vmem>>, %arg6: memref<256x8xi32, #tpu.memory_space<vmem>>) attributes {dimension_semantics = [#tpu.dimension_semantics<arbitrary>], iteration_bounds = array<i64: 32>, scalar_prefetch = 0 : i64, scratch_operands = 0 : i64, tpu.core_type = #tpu.core_type<tc>, window_params = [{transform_indices = @transform_0, window_bounds = array<i64: 8192, 64>}, {pipeline_mode = #tpu.pipeline_mode<synchronous>, transform_indices = @transform_1, window_bounds = array<i64: 64, 32>}, {pipeline_mode = #tpu.pipeline_mode<synchronous>, transform_indices = @transform_2, window_bounds = array<i64: 1, 32>}, {pipeline_mode = #tpu.pipeline_mode<synchronous>, transform_indices = @transform_3, window_bounds = array<i64: 32, 1>}, {pipeline_mode = #tpu.pipeline_mode<synchronous>, transform_indices = @transform_4, window_bounds = array<i64: 1, 1>}, {transform_indices = @transform_5, window_bounds = array<i64: 256, 8>}]} {
    %get3A = arith.constant 0 : index
    %get3A_0 = arith.constant 0 : index
    %get3A_1 = vector.load %arg1[%get3A, %get3A_0] : memref<8192x64xf32, #tpu.memory_space<vmem>>, vector<8192x64xf32>
    %get3A_2 = arith.constant 0 : index
    %get3A_3 = arith.constant 0 : index
    %get3A_4 = vector.load %arg2[%get3A_2, %get3A_3] : memref<64x32xf32, #tpu.memory_space<vmem>>, vector<64x32xf32>
    %dot_general3A = arith.constant dense<0.000000e+00> : vector<8192x32xf32>
    %dot_general3A_5 = tpu.matmul %get3A_1, %get3A_4, %dot_general3A {dimension_numbers = #tpu.dot_dimension_numbers<[1], [0], [0], [1], [0, 0, 1, 1], [], []>, transpose_lhs_hint = false} : vector<8192x64xf32>, vector<64x32xf32>, vector<8192x32xf32> -> vector<8192x32xf32>
    %get3A_6 = arith.constant 0 : index
    %get3A_7 = arith.constant 0 : index
    %get3A_8 = vector.load %arg3[%get3A_6, %get3A_7] : memref<1x32xf32, #tpu.memory_space<vmem>>, vector<1x32xf32>
    %add3A = vector.broadcast %get3A_8 : vector<1x32xf32> to vector<8192x32xf32>
    %add3A_9 = arith.addf %dot_general3A_5, %add3A : vector<8192x32xf32>
    %mul3A = arith.constant 5.000000e-01 : f32
    %mul3A_10 = vector.broadcast %mul3A : f32 to vector<8192x32xf32>
    %mul3A_11 = arith.mulf %mul3A_10, %add3A_9 : vector<8192x32xf32>
    %mul3A_12 = arith.constant 0.707106769 : f32
    %mul3A_13 = vector.broadcast %mul3A_12 : f32 to vector<8192x32xf32>
    %mul3A_14 = arith.mulf %add3A_9, %mul3A_13 : vector<8192x32xf32>
    %erf3A = math.erf %mul3A_14 : vector<8192x32xf32>
    %add3A_15 = arith.constant 1.000000e+00 : f32
    %add3A_16 = vector.broadcast %add3A_15 : f32 to vector<8192x32xf32>
    %add3A_17 = arith.addf %add3A_16, %erf3A : vector<8192x32xf32>
    %mul3A_18 = arith.mulf %mul3A_11, %add3A_17 : vector<8192x32xf32>
    %get3A_19 = arith.constant 0 : index
    %get3A_20 = arith.constant 0 : index
    %get3A_21 = vector.load %arg4[%get3A_19, %get3A_20] : memref<32x1xf32, #tpu.memory_space<vmem>>, vector<32x1xf32>
    %dot_general3A_22 = arith.constant dense<0.000000e+00> : vector<8192x1xf32>
    %dot_general3A_23 = tpu.matmul %mul3A_18, %get3A_21, %dot_general3A_22 {dimension_numbers = #tpu.dot_dimension_numbers<[1], [0], [0], [1], [0, 0, 1, 1], [], []>, transpose_lhs_hint = false} : vector<8192x32xf32>, vector<32x1xf32>, vector<8192x1xf32> -> vector<8192x1xf32>
    %get3A_24 = arith.constant 0 : index
    %get3A_25 = arith.constant 0 : index
    %get3A_26 = vector.load %arg5[%get3A_24, %get3A_25] : memref<1x1xf32, #tpu.memory_space<vmem>>, vector<1x1xf32>
    %add3A_27 = vector.broadcast %get3A_26 : vector<1x1xf32> to vector<8192x1xf32>
    %add3A_28 = arith.addf %dot_general3A_23, %add3A_27 : vector<8192x1xf32>
    %reshape3A = vector.shape_cast %add3A_28 : vector<8192x1xf32> to vector<256x32xf32>
    %iota3A = tpu.iota {dimensions = array<i32: 1>} : vector<256x32xi32>
    %reduce_max3A = arith.constant dense<0xFF800000> : vector<256xf32>
    %reduce_max3A_29 = vector.multi_reduction <maximumf>, %reshape3A, %reduce_max3A [1] : vector<256x32xf32> to vector<256xf32>
    %broadcast_in_dim3A = vector.shape_cast %reduce_max3A_29 : vector<256xf32> to vector<256x1xf32>
    %ge3A = vector.broadcast %broadcast_in_dim3A : vector<256x1xf32> to vector<256x32xf32>
    %ge3A_30 = arith.cmpf oge, %reshape3A, %ge3A : vector<256x32xf32>
    %jit3A = arith.constant 32 : i32
    %broadcast_in_dim3A_31 = vector.broadcast %jit3A : i32 to vector<256x32xi32>
    %select_n3A = arith.select %ge3A_30, %iota3A, %broadcast_in_dim3A_31 : vector<256x32xi1>, vector<256x32xi32>
    %reduce_min3A = arith.constant dense<2147483647> : vector<256xi32>
    %reduce_min3A_32 = vector.multi_reduction <minsi>, %select_n3A, %reduce_min3A [1] : vector<256x32xi32> to vector<256xi32>
    %broadcast_in_dim3A_33 = vector.shape_cast %reduce_min3A_32 : vector<256xi32> to vector<256x1xi32>
    %eq3A = vector.broadcast %broadcast_in_dim3A_33 : vector<256x1xi32> to vector<256x32xi32>
    %eq3A_34 = arith.cmpi eq, %iota3A, %eq3A : vector<256x32xi32>
    %jit3A_35 = arith.constant 0xFF800000 : f32
    %broadcast_in_dim3A_36 = vector.broadcast %jit3A_35 : f32 to vector<256x32xf32>
    %select_n3A_37 = arith.select %eq3A_34, %broadcast_in_dim3A_36, %reshape3A : vector<256x32xi1>, vector<256x32xf32>
    %reduce_max3A_38 = arith.constant dense<0xFF800000> : vector<256xf32>
    %reduce_max3A_39 = vector.multi_reduction <maximumf>, %select_n3A_37, %reduce_max3A_38 [1] : vector<256x32xf32> to vector<256xf32>
    %broadcast_in_dim3A_40 = vector.shape_cast %reduce_max3A_39 : vector<256xf32> to vector<256x1xf32>
    %ge3A_41 = vector.broadcast %broadcast_in_dim3A_40 : vector<256x1xf32> to vector<256x32xf32>
    %ge3A_42 = arith.cmpf oge, %select_n3A_37, %ge3A_41 : vector<256x32xf32>
    %jit3A_43 = arith.constant 32 : i32
    %broadcast_in_dim3A_44 = vector.broadcast %jit3A_43 : i32 to vector<256x32xi32>
    %select_n3A_45 = arith.select %ge3A_42, %iota3A, %broadcast_in_dim3A_44 : vector<256x32xi1>, vector<256x32xi32>
    %reduce_min3A_46 = arith.constant dense<2147483647> : vector<256xi32>
    %reduce_min3A_47 = vector.multi_reduction <minsi>, %select_n3A_45, %reduce_min3A_46 [1] : vector<256x32xi32> to vector<256xi32>
    %broadcast_in_dim3A_48 = vector.shape_cast %reduce_min3A_47 : vector<256xi32> to vector<256x1xi32>
    %eq3A_49 = vector.broadcast %broadcast_in_dim3A_48 : vector<256x1xi32> to vector<256x32xi32>
    %eq3A_50 = arith.cmpi eq, %iota3A, %eq3A_49 : vector<256x32xi32>
    %jit3A_51 = arith.constant 0xFF800000 : f32
    %broadcast_in_dim3A_52 = vector.broadcast %jit3A_51 : f32 to vector<256x32xf32>
    %select_n3A_53 = arith.select %eq3A_50, %broadcast_in_dim3A_52, %select_n3A_37 : vector<256x32xi1>, vector<256x32xf32>
    %reduce_max3A_54 = arith.constant dense<0xFF800000> : vector<256xf32>
    %reduce_max3A_55 = vector.multi_reduction <maximumf>, %select_n3A_53, %reduce_max3A_54 [1] : vector<256x32xf32> to vector<256xf32>
    %broadcast_in_dim3A_56 = vector.shape_cast %reduce_max3A_55 : vector<256xf32> to vector<256x1xf32>
    %ge3A_57 = vector.broadcast %broadcast_in_dim3A_56 : vector<256x1xf32> to vector<256x32xf32>
    %ge3A_58 = arith.cmpf oge, %select_n3A_53, %ge3A_57 : vector<256x32xf32>
    %jit3A_59 = arith.constant 32 : i32
    %broadcast_in_dim3A_60 = vector.broadcast %jit3A_59 : i32 to vector<256x32xi32>
    %select_n3A_61 = arith.select %ge3A_58, %iota3A, %broadcast_in_dim3A_60 : vector<256x32xi1>, vector<256x32xi32>
    %reduce_min3A_62 = arith.constant dense<2147483647> : vector<256xi32>
    %reduce_min3A_63 = vector.multi_reduction <minsi>, %select_n3A_61, %reduce_min3A_62 [1] : vector<256x32xi32> to vector<256xi32>
    %broadcast_in_dim3A_64 = vector.shape_cast %reduce_min3A_63 : vector<256xi32> to vector<256x1xi32>
    %eq3A_65 = vector.broadcast %broadcast_in_dim3A_64 : vector<256x1xi32> to vector<256x32xi32>
    %eq3A_66 = arith.cmpi eq, %iota3A, %eq3A_65 : vector<256x32xi32>
    %jit3A_67 = arith.constant 0xFF800000 : f32
    %broadcast_in_dim3A_68 = vector.broadcast %jit3A_67 : f32 to vector<256x32xf32>
    %select_n3A_69 = arith.select %eq3A_66, %broadcast_in_dim3A_68, %select_n3A_53 : vector<256x32xi1>, vector<256x32xf32>
    %reduce_max3A_70 = arith.constant dense<0xFF800000> : vector<256xf32>
    %reduce_max3A_71 = vector.multi_reduction <maximumf>, %select_n3A_69, %reduce_max3A_70 [1] : vector<256x32xf32> to vector<256xf32>
    %broadcast_in_dim3A_72 = vector.shape_cast %reduce_max3A_71 : vector<256xf32> to vector<256x1xf32>
    %ge3A_73 = vector.broadcast %broadcast_in_dim3A_72 : vector<256x1xf32> to vector<256x32xf32>
    %ge3A_74 = arith.cmpf oge, %select_n3A_69, %ge3A_73 : vector<256x32xf32>
    %jit3A_75 = arith.constant 32 : i32
    %broadcast_in_dim3A_76 = vector.broadcast %jit3A_75 : i32 to vector<256x32xi32>
    %select_n3A_77 = arith.select %ge3A_74, %iota3A, %broadcast_in_dim3A_76 : vector<256x32xi1>, vector<256x32xi32>
    %reduce_min3A_78 = arith.constant dense<2147483647> : vector<256xi32>
    %reduce_min3A_79 = vector.multi_reduction <minsi>, %select_n3A_77, %reduce_min3A_78 [1] : vector<256x32xi32> to vector<256xi32>
    %broadcast_in_dim3A_80 = vector.shape_cast %reduce_min3A_79 : vector<256xi32> to vector<256x1xi32>
    %eq3A_81 = vector.broadcast %broadcast_in_dim3A_80 : vector<256x1xi32> to vector<256x32xi32>
    %eq3A_82 = arith.cmpi eq, %iota3A, %eq3A_81 : vector<256x32xi32>
    %jit3A_83 = arith.constant 0xFF800000 : f32
    %broadcast_in_dim3A_84 = vector.broadcast %jit3A_83 : f32 to vector<256x32xf32>
    %select_n3A_85 = arith.select %eq3A_82, %broadcast_in_dim3A_84, %select_n3A_69 : vector<256x32xi1>, vector<256x32xf32>
    %reduce_max3A_86 = arith.constant dense<0xFF800000> : vector<256xf32>
    %reduce_max3A_87 = vector.multi_reduction <maximumf>, %select_n3A_85, %reduce_max3A_86 [1] : vector<256x32xf32> to vector<256xf32>
    %broadcast_in_dim3A_88 = vector.shape_cast %reduce_max3A_87 : vector<256xf32> to vector<256x1xf32>
    %ge3A_89 = vector.broadcast %broadcast_in_dim3A_88 : vector<256x1xf32> to vector<256x32xf32>
    %ge3A_90 = arith.cmpf oge, %select_n3A_85, %ge3A_89 : vector<256x32xf32>
    %jit3A_91 = arith.constant 32 : i32
    %broadcast_in_dim3A_92 = vector.broadcast %jit3A_91 : i32 to vector<256x32xi32>
    %select_n3A_93 = arith.select %ge3A_90, %iota3A, %broadcast_in_dim3A_92 : vector<256x32xi1>, vector<256x32xi32>
    %reduce_min3A_94 = arith.constant dense<2147483647> : vector<256xi32>
    %reduce_min3A_95 = vector.multi_reduction <minsi>, %select_n3A_93, %reduce_min3A_94 [1] : vector<256x32xi32> to vector<256xi32>
    %broadcast_in_dim3A_96 = vector.shape_cast %reduce_min3A_95 : vector<256xi32> to vector<256x1xi32>
    %eq3A_97 = vector.broadcast %broadcast_in_dim3A_96 : vector<256x1xi32> to vector<256x32xi32>
    %eq3A_98 = arith.cmpi eq, %iota3A, %eq3A_97 : vector<256x32xi32>
    %jit3A_99 = arith.constant 0xFF800000 : f32
    %broadcast_in_dim3A_100 = vector.broadcast %jit3A_99 : f32 to vector<256x32xf32>
    %select_n3A_101 = arith.select %eq3A_98, %broadcast_in_dim3A_100, %select_n3A_85 : vector<256x32xi1>, vector<256x32xf32>
    %reduce_max3A_102 = arith.constant dense<0xFF800000> : vector<256xf32>
    %reduce_max3A_103 = vector.multi_reduction <maximumf>, %select_n3A_101, %reduce_max3A_102 [1] : vector<256x32xf32> to vector<256xf32>
    %broadcast_in_dim3A_104 = vector.shape_cast %reduce_max3A_103 : vector<256xf32> to vector<256x1xf32>
    %ge3A_105 = vector.broadcast %broadcast_in_dim3A_104 : vector<256x1xf32> to vector<256x32xf32>
    %ge3A_106 = arith.cmpf oge, %select_n3A_101, %ge3A_105 : vector<256x32xf32>
    %jit3A_107 = arith.constant 32 : i32
    %broadcast_in_dim3A_108 = vector.broadcast %jit3A_107 : i32 to vector<256x32xi32>
    %select_n3A_109 = arith.select %ge3A_106, %iota3A, %broadcast_in_dim3A_108 : vector<256x32xi1>, vector<256x32xi32>
    %reduce_min3A_110 = arith.constant dense<2147483647> : vector<256xi32>
    %reduce_min3A_111 = vector.multi_reduction <minsi>, %select_n3A_109, %reduce_min3A_110 [1] : vector<256x32xi32> to vector<256xi32>
    %broadcast_in_dim3A_112 = vector.shape_cast %reduce_min3A_111 : vector<256xi32> to vector<256x1xi32>
    %eq3A_113 = vector.broadcast %broadcast_in_dim3A_112 : vector<256x1xi32> to vector<256x32xi32>
    %eq3A_114 = arith.cmpi eq, %iota3A, %eq3A_113 : vector<256x32xi32>
    %jit3A_115 = arith.constant 0xFF800000 : f32
    %broadcast_in_dim3A_116 = vector.broadcast %jit3A_115 : f32 to vector<256x32xf32>
    %select_n3A_117 = arith.select %eq3A_114, %broadcast_in_dim3A_116, %select_n3A_101 : vector<256x32xi1>, vector<256x32xf32>
    %reduce_max3A_118 = arith.constant dense<0xFF800000> : vector<256xf32>
    %reduce_max3A_119 = vector.multi_reduction <maximumf>, %select_n3A_117, %reduce_max3A_118 [1] : vector<256x32xf32> to vector<256xf32>
    %broadcast_in_dim3A_120 = vector.shape_cast %reduce_max3A_119 : vector<256xf32> to vector<256x1xf32>
    %ge3A_121 = vector.broadcast %broadcast_in_dim3A_120 : vector<256x1xf32> to vector<256x32xf32>
    %ge3A_122 = arith.cmpf oge, %select_n3A_117, %ge3A_121 : vector<256x32xf32>
    %jit3A_123 = arith.constant 32 : i32
    %broadcast_in_dim3A_124 = vector.broadcast %jit3A_123 : i32 to vector<256x32xi32>
    %select_n3A_125 = arith.select %ge3A_122, %iota3A, %broadcast_in_dim3A_124 : vector<256x32xi1>, vector<256x32xi32>
    %reduce_min3A_126 = arith.constant dense<2147483647> : vector<256xi32>
    %reduce_min3A_127 = vector.multi_reduction <minsi>, %select_n3A_125, %reduce_min3A_126 [1] : vector<256x32xi32> to vector<256xi32>
    %broadcast_in_dim3A_128 = vector.shape_cast %reduce_min3A_127 : vector<256xi32> to vector<256x1xi32>
    %eq3A_129 = vector.broadcast %broadcast_in_dim3A_128 : vector<256x1xi32> to vector<256x32xi32>
    %eq3A_130 = arith.cmpi eq, %iota3A, %eq3A_129 : vector<256x32xi32>
    %jit3A_131 = arith.constant 0xFF800000 : f32
    %broadcast_in_dim3A_132 = vector.broadcast %jit3A_131 : f32 to vector<256x32xf32>
    %select_n3A_133 = arith.select %eq3A_130, %broadcast_in_dim3A_132, %select_n3A_117 : vector<256x32xi1>, vector<256x32xf32>
    %reduce_max3A_134 = arith.constant dense<0xFF800000> : vector<256xf32>
    %reduce_max3A_135 = vector.multi_reduction <maximumf>, %select_n3A_133, %reduce_max3A_134 [1] : vector<256x32xf32> to vector<256xf32>
    %broadcast_in_dim3A_136 = vector.shape_cast %reduce_max3A_135 : vector<256xf32> to vector<256x1xf32>
    %ge3A_137 = vector.broadcast %broadcast_in_dim3A_136 : vector<256x1xf32> to vector<256x32xf32>
    %ge3A_138 = arith.cmpf oge, %select_n3A_133, %ge3A_137 : vector<256x32xf32>
    %jit3A_139 = arith.constant 32 : i32
    %broadcast_in_dim3A_140 = vector.broadcast %jit3A_139 : i32 to vector<256x32xi32>
    %select_n3A_141 = arith.select %ge3A_138, %iota3A, %broadcast_in_dim3A_140 : vector<256x32xi1>, vector<256x32xi32>
    %reduce_min3A_142 = arith.constant dense<2147483647> : vector<256xi32>
    %reduce_min3A_143 = vector.multi_reduction <minsi>, %select_n3A_141, %reduce_min3A_142 [1] : vector<256x32xi32> to vector<256xi32>
    %broadcast_in_dim3A_144 = vector.shape_cast %reduce_min3A_143 : vector<256xi32> to vector<256x1xi32>
    %concatenate3A = tpu.concatenate %broadcast_in_dim3A_33, %broadcast_in_dim3A_48, %broadcast_in_dim3A_64, %broadcast_in_dim3A_80, %broadcast_in_dim3A_96, %broadcast_in_dim3A_112, %broadcast_in_dim3A_128, %broadcast_in_dim3A_144 in 1 : vector<256x1xi32>, vector<256x1xi32>, vector<256x1xi32>, vector<256x1xi32>, vector<256x1xi32>, vector<256x1xi32>, vector<256x1xi32>, vector<256x1xi32> -> vector<256x8xi32>
    %mul3A_145 = arith.constant 256 : i32
    %mul3A_146 = arith.muli %arg0, %mul3A_145 : i32
    %iota3A_147 = tpu.iota {dimensions = array<i32: 0>} : vector<256x8xi32>
    %add3A_148 = vector.broadcast %mul3A_146 : i32 to vector<256x8xi32>
    %add3A_149 = arith.addi %add3A_148, %iota3A_147 : vector<256x8xi32>
    %mul3A_150 = arith.constant 32 : i32
    %mul3A_151 = vector.broadcast %mul3A_150 : i32 to vector<256x8xi32>
    %mul3A_152 = arith.muli %add3A_149, %mul3A_151 : vector<256x8xi32>
    %add3A_153 = arith.addi %mul3A_152, %concatenate3A : vector<256x8xi32>
    %swap3A = arith.constant 0 : index
    %swap3A_154 = arith.constant 0 : index
    %swap3A_155 = vector.load %arg6[%swap3A, %swap3A_154] : memref<256x8xi32, #tpu.memory_space<vmem>>, vector<256x8xi32>
    tpu.vector_store %arg6[%swap3A, %swap3A_154], %add3A_153 {strides = array<i32>} : memref<256x8xi32, #tpu.memory_space<vmem>>, vector<256x8xi32>,
    return
  }
  func.func @transform_0(%arg0: i32) -> (i32, i32) {
    %c0_i32 = arith.constant 0 : i32
    %c0_i32_0 = arith.constant 0 : i32
    return %arg0, %c0_i32 : i32, i32
  }
  func.func @transform_1(%arg0: i32) -> (i32, i32) {
    %c0_i32 = arith.constant 0 : i32
    %c0_i32_0 = arith.constant 0 : i32
    %c0_i32_1 = arith.constant 0 : i32
    return %c0_i32, %c0_i32_0 : i32, i32
  }
  func.func @transform_2(%arg0: i32) -> (i32, i32) {
    %c0_i32 = arith.constant 0 : i32
    %c0_i32_0 = arith.constant 0 : i32
    %c0_i32_1 = arith.constant 0 : i32
    return %c0_i32, %c0_i32_0 : i32, i32
  }
  func.func @transform_3(%arg0: i32) -> (i32, i32) {
    %c0_i32 = arith.constant 0 : i32
    %c0_i32_0 = arith.constant 0 : i32
    %c0_i32_1 = arith.constant 0 : i32
    return %c0_i32, %c0_i32_0 : i32, i32
  }
  func.func @transform_4(%arg0: i32) -> (i32, i32) {
    %c0_i32 = arith.constant 0 : i32
    %c0_i32_0 = arith.constant 0 : i32
    %c0_i32_1 = arith.constant 0 : i32
    return %c0_i32, %c0_i32_0 : i32, i32
  }
  func.func @transform_5(%arg0: i32) -> (i32, i32) {
    %c0_i32 = arith.constant 0 : i32
    %c0_i32_0 = arith.constant 0 : i32
    return %arg0, %c0_i32 : i32, i32
  }
}

module attributes {stable_mosaic.version = 14 : i64} {
  func.func @_proj_body(%arg0: i32, %arg1: memref<512x1024xf32, #tpu.memory_space<vmem>>, %arg2: memref<512x8xi32, #tpu.memory_space<vmem>>, %arg3: memref<512x2048xf32, #tpu.memory_space<vmem>>, %arg4: memref<1x2048xf32, #tpu.memory_space<vmem>>, %arg5: memref<512x2048xf32, #tpu.memory_space<vmem>>) attributes {dimension_semantics = [#tpu.dimension_semantics<arbitrary>], iteration_bounds = array<i64: 16>, scalar_prefetch = 0 : i64, scratch_operands = 0 : i64, tpu.core_type = #tpu.core_type<tc>, window_params = [{transform_indices = @transform_0, window_bounds = array<i64: 512, 1024>}, {transform_indices = @transform_1, window_bounds = array<i64: 512, 8>}, {pipeline_mode = #tpu.pipeline_mode<synchronous>, transform_indices = @transform_2, window_bounds = array<i64: 512, 2048>}, {pipeline_mode = #tpu.pipeline_mode<synchronous>, transform_indices = @transform_3, window_bounds = array<i64: 1, 2048>}, {transform_indices = @transform_4, window_bounds = array<i64: 512, 2048>}]} {
    %get3A = arith.constant 0 : index
    %get3A_0 = arith.constant 0 : index
    %get3A_1 = vector.load %arg1[%get3A, %get3A_0] : memref<512x1024xf32, #tpu.memory_space<vmem>>, vector<512x1024xf32>
    %get3A_2 = arith.constant 0 : index
    %get3A_3 = arith.constant 0 : index
    %get3A_4 = vector.load %arg2[%get3A_2, %get3A_3] : memref<512x8xi32, #tpu.memory_space<vmem>>, vector<512x8xi32>
    %slice3A = vector.extract_strided_slice %get3A_1 {offsets = [0, 0], sizes = [512, 64], strides = [1, 1]} : vector<512x1024xf32> to vector<512x64xf32>
    %slice3A_5 = vector.extract_strided_slice %get3A_1 {offsets = [0, 64], sizes = [512, 64], strides = [1, 1]} : vector<512x1024xf32> to vector<512x64xf32>
    %slice3A_6 = vector.extract_strided_slice %get3A_4 {offsets = [0, 0], sizes = [512, 1], strides = [1, 1]} : vector<512x8xi32> to vector<512x1xi32>
    %and3A = arith.constant 1 : i32
    %and3A_7 = vector.broadcast %and3A : i32 to vector<512x1xi32>
    %and3A_8 = arith.andi %slice3A_6, %and3A_7 : vector<512x1xi32>
    %eq3A = arith.constant 1 : i32
    %eq3A_9 = vector.broadcast %eq3A : i32 to vector<512x1xi32>
    %eq3A_10 = arith.cmpi eq, %and3A_8, %eq3A_9 : vector<512x1xi32>
    %broadcast_in_dim3A = vector.shape_cast %eq3A_10 : vector<512x1xi1> to vector<512x1xi1>
    %broadcast_in_dim3A_11 = vector.broadcast %broadcast_in_dim3A : vector<512x1xi1> to vector<512x64xi1>
    %select_n3A = arith.select %broadcast_in_dim3A_11, %slice3A_5, %slice3A : vector<512x64xi1>, vector<512x64xf32>
    %slice3A_12 = vector.extract_strided_slice %get3A_1 {offsets = [0, 128], sizes = [512, 64], strides = [1, 1]} : vector<512x1024xf32> to vector<512x64xf32>
    %slice3A_13 = vector.extract_strided_slice %get3A_1 {offsets = [0, 192], sizes = [512, 64], strides = [1, 1]} : vector<512x1024xf32> to vector<512x64xf32>
    %slice3A_14 = vector.extract_strided_slice %get3A_4 {offsets = [0, 1], sizes = [512, 1], strides = [1, 1]} : vector<512x8xi32> to vector<512x1xi32>
    %and3A_15 = arith.constant 1 : i32
    %and3A_16 = vector.broadcast %and3A_15 : i32 to vector<512x1xi32>
    %and3A_17 = arith.andi %slice3A_14, %and3A_16 : vector<512x1xi32>
    %eq3A_18 = arith.constant 1 : i32
    %eq3A_19 = vector.broadcast %eq3A_18 : i32 to vector<512x1xi32>
    %eq3A_20 = arith.cmpi eq, %and3A_17, %eq3A_19 : vector<512x1xi32>
    %broadcast_in_dim3A_21 = vector.shape_cast %eq3A_20 : vector<512x1xi1> to vector<512x1xi1>
    %broadcast_in_dim3A_22 = vector.broadcast %broadcast_in_dim3A_21 : vector<512x1xi1> to vector<512x64xi1>
    %select_n3A_23 = arith.select %broadcast_in_dim3A_22, %slice3A_13, %slice3A_12 : vector<512x64xi1>, vector<512x64xf32>
    %slice3A_24 = vector.extract_strided_slice %get3A_1 {offsets = [0, 256], sizes = [512, 64], strides = [1, 1]} : vector<512x1024xf32> to vector<512x64xf32>
    %slice3A_25 = vector.extract_strided_slice %get3A_1 {offsets = [0, 320], sizes = [512, 64], strides = [1, 1]} : vector<512x1024xf32> to vector<512x64xf32>
    %slice3A_26 = vector.extract_strided_slice %get3A_4 {offsets = [0, 2], sizes = [512, 1], strides = [1, 1]} : vector<512x8xi32> to vector<512x1xi32>
    %and3A_27 = arith.constant 1 : i32
    %and3A_28 = vector.broadcast %and3A_27 : i32 to vector<512x1xi32>
    %and3A_29 = arith.andi %slice3A_26, %and3A_28 : vector<512x1xi32>
    %eq3A_30 = arith.constant 1 : i32
    %eq3A_31 = vector.broadcast %eq3A_30 : i32 to vector<512x1xi32>
    %eq3A_32 = arith.cmpi eq, %and3A_29, %eq3A_31 : vector<512x1xi32>
    %broadcast_in_dim3A_33 = vector.shape_cast %eq3A_32 : vector<512x1xi1> to vector<512x1xi1>
    %broadcast_in_dim3A_34 = vector.broadcast %broadcast_in_dim3A_33 : vector<512x1xi1> to vector<512x64xi1>
    %select_n3A_35 = arith.select %broadcast_in_dim3A_34, %slice3A_25, %slice3A_24 : vector<512x64xi1>, vector<512x64xf32>
    %slice3A_36 = vector.extract_strided_slice %get3A_1 {offsets = [0, 384], sizes = [512, 64], strides = [1, 1]} : vector<512x1024xf32> to vector<512x64xf32>
    %slice3A_37 = vector.extract_strided_slice %get3A_1 {offsets = [0, 448], sizes = [512, 64], strides = [1, 1]} : vector<512x1024xf32> to vector<512x64xf32>
    %slice3A_38 = vector.extract_strided_slice %get3A_4 {offsets = [0, 3], sizes = [512, 1], strides = [1, 1]} : vector<512x8xi32> to vector<512x1xi32>
    %and3A_39 = arith.constant 1 : i32
    %and3A_40 = vector.broadcast %and3A_39 : i32 to vector<512x1xi32>
    %and3A_41 = arith.andi %slice3A_38, %and3A_40 : vector<512x1xi32>
    %eq3A_42 = arith.constant 1 : i32
    %eq3A_43 = vector.broadcast %eq3A_42 : i32 to vector<512x1xi32>
    %eq3A_44 = arith.cmpi eq, %and3A_41, %eq3A_43 : vector<512x1xi32>
    %broadcast_in_dim3A_45 = vector.shape_cast %eq3A_44 : vector<512x1xi1> to vector<512x1xi1>
    %broadcast_in_dim3A_46 = vector.broadcast %broadcast_in_dim3A_45 : vector<512x1xi1> to vector<512x64xi1>
    %select_n3A_47 = arith.select %broadcast_in_dim3A_46, %slice3A_37, %slice3A_36 : vector<512x64xi1>, vector<512x64xf32>
    %slice3A_48 = vector.extract_strided_slice %get3A_1 {offsets = [0, 512], sizes = [512, 64], strides = [1, 1]} : vector<512x1024xf32> to vector<512x64xf32>
    %slice3A_49 = vector.extract_strided_slice %get3A_1 {offsets = [0, 576], sizes = [512, 64], strides = [1, 1]} : vector<512x1024xf32> to vector<512x64xf32>
    %slice3A_50 = vector.extract_strided_slice %get3A_4 {offsets = [0, 4], sizes = [512, 1], strides = [1, 1]} : vector<512x8xi32> to vector<512x1xi32>
    %and3A_51 = arith.constant 1 : i32
    %and3A_52 = vector.broadcast %and3A_51 : i32 to vector<512x1xi32>
    %and3A_53 = arith.andi %slice3A_50, %and3A_52 : vector<512x1xi32>
    %eq3A_54 = arith.constant 1 : i32
    %eq3A_55 = vector.broadcast %eq3A_54 : i32 to vector<512x1xi32>
    %eq3A_56 = arith.cmpi eq, %and3A_53, %eq3A_55 : vector<512x1xi32>
    %broadcast_in_dim3A_57 = vector.shape_cast %eq3A_56 : vector<512x1xi1> to vector<512x1xi1>
    %broadcast_in_dim3A_58 = vector.broadcast %broadcast_in_dim3A_57 : vector<512x1xi1> to vector<512x64xi1>
    %select_n3A_59 = arith.select %broadcast_in_dim3A_58, %slice3A_49, %slice3A_48 : vector<512x64xi1>, vector<512x64xf32>
    %slice3A_60 = vector.extract_strided_slice %get3A_1 {offsets = [0, 640], sizes = [512, 64], strides = [1, 1]} : vector<512x1024xf32> to vector<512x64xf32>
    %slice3A_61 = vector.extract_strided_slice %get3A_1 {offsets = [0, 704], sizes = [512, 64], strides = [1, 1]} : vector<512x1024xf32> to vector<512x64xf32>
    %slice3A_62 = vector.extract_strided_slice %get3A_4 {offsets = [0, 5], sizes = [512, 1], strides = [1, 1]} : vector<512x8xi32> to vector<512x1xi32>
    %and3A_63 = arith.constant 1 : i32
    %and3A_64 = vector.broadcast %and3A_63 : i32 to vector<512x1xi32>
    %and3A_65 = arith.andi %slice3A_62, %and3A_64 : vector<512x1xi32>
    %eq3A_66 = arith.constant 1 : i32
    %eq3A_67 = vector.broadcast %eq3A_66 : i32 to vector<512x1xi32>
    %eq3A_68 = arith.cmpi eq, %and3A_65, %eq3A_67 : vector<512x1xi32>
    %broadcast_in_dim3A_69 = vector.shape_cast %eq3A_68 : vector<512x1xi1> to vector<512x1xi1>
    %broadcast_in_dim3A_70 = vector.broadcast %broadcast_in_dim3A_69 : vector<512x1xi1> to vector<512x64xi1>
    %select_n3A_71 = arith.select %broadcast_in_dim3A_70, %slice3A_61, %slice3A_60 : vector<512x64xi1>, vector<512x64xf32>
    %slice3A_72 = vector.extract_strided_slice %get3A_1 {offsets = [0, 768], sizes = [512, 64], strides = [1, 1]} : vector<512x1024xf32> to vector<512x64xf32>
    %slice3A_73 = vector.extract_strided_slice %get3A_1 {offsets = [0, 832], sizes = [512, 64], strides = [1, 1]} : vector<512x1024xf32> to vector<512x64xf32>
    %slice3A_74 = vector.extract_strided_slice %get3A_4 {offsets = [0, 6], sizes = [512, 1], strides = [1, 1]} : vector<512x8xi32> to vector<512x1xi32>
    %and3A_75 = arith.constant 1 : i32
    %and3A_76 = vector.broadcast %and3A_75 : i32 to vector<512x1xi32>
    %and3A_77 = arith.andi %slice3A_74, %and3A_76 : vector<512x1xi32>
    %eq3A_78 = arith.constant 1 : i32
    %eq3A_79 = vector.broadcast %eq3A_78 : i32 to vector<512x1xi32>
    %eq3A_80 = arith.cmpi eq, %and3A_77, %eq3A_79 : vector<512x1xi32>
    %broadcast_in_dim3A_81 = vector.shape_cast %eq3A_80 : vector<512x1xi1> to vector<512x1xi1>
    %broadcast_in_dim3A_82 = vector.broadcast %broadcast_in_dim3A_81 : vector<512x1xi1> to vector<512x64xi1>
    %select_n3A_83 = arith.select %broadcast_in_dim3A_82, %slice3A_73, %slice3A_72 : vector<512x64xi1>, vector<512x64xf32>
    %slice3A_84 = vector.extract_strided_slice %get3A_1 {offsets = [0, 896], sizes = [512, 64], strides = [1, 1]} : vector<512x1024xf32> to vector<512x64xf32>
    %slice3A_85 = vector.extract_strided_slice %get3A_1 {offsets = [0, 960], sizes = [512, 64], strides = [1, 1]} : vector<512x1024xf32> to vector<512x64xf32>
    %slice3A_86 = vector.extract_strided_slice %get3A_4 {offsets = [0, 7], sizes = [512, 1], strides = [1, 1]} : vector<512x8xi32> to vector<512x1xi32>
    %and3A_87 = arith.constant 1 : i32
    %and3A_88 = vector.broadcast %and3A_87 : i32 to vector<512x1xi32>
    %and3A_89 = arith.andi %slice3A_86, %and3A_88 : vector<512x1xi32>
    %eq3A_90 = arith.constant 1 : i32
    %eq3A_91 = vector.broadcast %eq3A_90 : i32 to vector<512x1xi32>
    %eq3A_92 = arith.cmpi eq, %and3A_89, %eq3A_91 : vector<512x1xi32>
    %broadcast_in_dim3A_93 = vector.shape_cast %eq3A_92 : vector<512x1xi1> to vector<512x1xi1>
    %broadcast_in_dim3A_94 = vector.broadcast %broadcast_in_dim3A_93 : vector<512x1xi1> to vector<512x64xi1>
    %select_n3A_95 = arith.select %broadcast_in_dim3A_94, %slice3A_85, %slice3A_84 : vector<512x64xi1>, vector<512x64xf32>
    %concatenate3A = tpu.concatenate %select_n3A, %select_n3A_23, %select_n3A_35, %select_n3A_47, %select_n3A_59, %select_n3A_71, %select_n3A_83, %select_n3A_95 in 1 : vector<512x64xf32>, vector<512x64xf32>, vector<512x64xf32>, vector<512x64xf32>, vector<512x64xf32>, vector<512x64xf32>, vector<512x64xf32>, vector<512x64xf32> -> vector<512x512xf32>
    %get3A_96 = arith.constant 0 : index
    %get3A_97 = arith.constant 0 : index
    %get3A_98 = vector.load %arg3[%get3A_96, %get3A_97] : memref<512x2048xf32, #tpu.memory_space<vmem>>, vector<512x2048xf32>
    %dot_general3A = arith.constant dense<0.000000e+00> : vector<512x2048xf32>
    %dot_general3A_99 = tpu.matmul %concatenate3A, %get3A_98, %dot_general3A {dimension_numbers = #tpu.dot_dimension_numbers<[1], [0], [0], [1], [0, 0, 1, 1], [], []>, transpose_lhs_hint = false} : vector<512x512xf32>, vector<512x2048xf32>, vector<512x2048xf32> -> vector<512x2048xf32>
    %get3A_100 = arith.constant 0 : index
    %get3A_101 = arith.constant 0 : index
    %get3A_102 = vector.load %arg4[%get3A_100, %get3A_101] : memref<1x2048xf32, #tpu.memory_space<vmem>>, vector<1x2048xf32>
    %add3A = vector.broadcast %get3A_102 : vector<1x2048xf32> to vector<512x2048xf32>
    %add3A_103 = arith.addf %dot_general3A_99, %add3A : vector<512x2048xf32>
    %swap3A = arith.constant 0 : index
    %swap3A_104 = arith.constant 0 : index
    %swap3A_105 = vector.load %arg5[%swap3A, %swap3A_104] : memref<512x2048xf32, #tpu.memory_space<vmem>>, vector<512x2048xf32>
    tpu.vector_store %arg5[%swap3A, %swap3A_104], %add3A_103 {strides = array<i32>} : memref<512x2048xf32, #tpu.memory_space<vmem>>, vector<512x2048xf32>,
    return
  }
  func.func @transform_0(%arg0: i32) -> (i32, i32) {
    %c0_i32 = arith.constant 0 : i32
    %c0_i32_0 = arith.constant 0 : i32
    return %arg0, %c0_i32 : i32, i32
  }
  func.func @transform_1(%arg0: i32) -> (i32, i32) {
    %c0_i32 = arith.constant 0 : i32
    %c0_i32_0 = arith.constant 0 : i32
    return %arg0, %c0_i32 : i32, i32
  }
  func.func @transform_2(%arg0: i32) -> (i32, i32) {
    %c0_i32 = arith.constant 0 : i32
    %c0_i32_0 = arith.constant 0 : i32
    %c0_i32_1 = arith.constant 0 : i32
    return %c0_i32, %c0_i32_0 : i32, i32
  }
  func.func @transform_3(%arg0: i32) -> (i32, i32) {
    %c0_i32 = arith.constant 0 : i32
    %c0_i32_0 = arith.constant 0 : i32
    %c0_i32_1 = arith.constant 0 : i32
    return %c0_i32, %c0_i32_0 : i32, i32
  }
  func.func @transform_4(%arg0: i32) -> (i32, i32) {
    %c0_i32 = arith.constant 0 : i32
    %c0_i32_0 = arith.constant 0 : i32
    return %arg0, %c0_i32 : i32, i32
  }
}

</mosaic_0001>

<sc_bundles>
// kernel: kernel.5.cloned.1.call-start
scs
__scs_entry_jumppad:
0x0: {  	(pc) =	sbr.rel $0x88, $3  }
0x1: {  	(tag) =	ssettag $0x0;
	lr =	simm.s32 $0x1  }
0x2: {  	[smem:$0x3F9A] =	sst lr;
	_ =	strace $0xD0000000  }
0x3: {  	_ = 	snop  }
0x4: {  	_ = 	snop  }
0x5: {  	_ = 	snop  }
0x6: {  	_ = 	snop  }
0x7: {  	_ = 	snop  }
__scs_overlays_trampoline_lowered:
0x8: {  	[smem:$0x3FA9] =	sst s0  }
0x9: {  	[smem:$0x3FAA] =	sst s1  }
0xa: {  	[smem:$0x3FAB] =	sst s2  }
0xb: {  	[smem:$0x3FAC] =	sst s3  }
0xc: {  	[smem:$0x3FAD] =	sst s4  }
0xd: {  	[smem:$0x3FAE] =	sst s5  }
0xe: {  	[smem:$0x3FAF] =	sst s6  }
0xf: {  	[smem:$0x3FB0] =	sst s7  }
0x10: {  	[smem:$0x3FB1] =	sst s8  }
0x11: {  	[smem:$0x3FB2] =	sst s9;
	s0 =	simm.s32 @!p0 $0x0  }
0x12: {  	s1 =	sld [smem:$0x3F98];
	s0 =	simm.s32 @p0 $0x1  }
0x13: {  	[smem:$0x3FB3] =	sst s0;
	s0 =	simm.s32 @!p1 $0x0  }
0x14: {  	s2 =	sld [smem:$0x3F97];
	s0 =	simm.s32 @p1 $0x1  }
0x15: {  	[smem:$0x3FB4] =	sst s0;
	s0 =	simm.s32 @!p2 $0x0  }
0x16: {  	s3 =	sld [smem:$0x3FDB];
	s0 =	simm.s32 @p2 $0x1  }
0x17: {  	s4 =	simm.s32 $0x1BF5;
	[smem:$0x3FB6] =	sst s0  }
0x18: {  	s0 =	sld [smem:$0x3F99];
	_ =	swait.ge [sflag:s4], $0x0  }
0x19: {  	s7 =	sld [smem:$0x3F9A]  }
0x1a: {  	s8 =	sadd.s32 $0xFFFFE003, lr  }
0x1b: {  	s9 =	sadd.s32 $0xFFFFFEF7, lr;
	s5 =	simm.s32 $0xFFFFFFFF;
	p2 =	slt.u32 s8, $0xFFFFF086  }
0x1c: {  	p1 =	slt.u32 s9, $0xF7A;
	s5 =	simm.s32 @!p2 $0x0  }
0x1d: {  	s5 =	simm.s32 @p1 $0x1;
	p0 =	seq.s32 s7, s2  }
0x1e: {  	s7 =	smul.u32 @!p0 $0xF7A, s2;
	p2 =	seq.s32 @!p0 s5, $0x0  }
0x1f: {  	s9 =	smul.u32 $0xF7A, s1;
	s8 =	simm.s32 @!p0 $0x1BF5;
	p2 =	por !p2, p0  }
0x20: {  	[sflag:s8] =	ssyncset.s32 @!p0 $0xFFFFF086;
	s6 =	sadd.s32 @!p0 s3, s7;
	s7 =	simm.s32 @!p0 $0x108  }
0x21: {  	s3 =	sadd.s32 s3, s9;
	s6 =	sadd.s32 @!p0 $0x88, s6;
	s7 =	simm.s32 @p2 $0x1082  }
0x22: {  	[simem:s7], [sflag:s8] =	dma.local @!p0 [hbm:s6], $0xF7A  }
0x23: {  	s9 =	sor.u32 $0xD0000000, s2;
	s6 =	simm.s32 $0x108;
	_ =	swait.ge @!p0 [sflag:s8], $0x0  }
0x24: {  	s3 =	sadd.s32 $0x88, s3;
	s6 =	simm.s32 @!p1 $0x1082;
	[sflag:s4] =	ssyncset.s32 $0xFFFFF086  }
0x25: {  	[simem:s6], [sflag:s4] =	dma.local [hbm:s3], $0xF7A  }
0x26: {  	[smem:$0x3F9A] =	sst s1;
	(tag) =	ssettag s2;
	_ =	strace s9  }
0x27: {  	s1 =	sld [smem:$0x3FAA]  }
0x28: {  	s2 =	sld [smem:$0x3FAB]  }
0x29: {  	s4 =	sld [smem:$0x3FAD]  }
0x2a: {  	p0 =	seq.s32 s5, $0x0;
	s5 =	sld [smem:$0x3FAE]  }
0x2b: {  	s6 =	sld [smem:$0x3FAF]  }
0x2c: {  	s7 =	sld [smem:$0x3FB0]  }
0x2d: {  	s3 =	simm.s32 $0x108;
	s8 =	sld [smem:$0x3FB1]  }
0x2e: {  	s3 =	simm.s32 @!p0 $0x1082;
	s9 =	sld [smem:$0x3FB2]  }
0x2f: {  	lr =	sadd.s32 s0, s3;
	s0 =	sld [smem:$0x3FA9]  }
0x30: {  	s3 =	sld [smem:$0x3FAC]  }
0x31: {  	[smem:$0x3FB5] =	sst s10  }
0x32: {  	s10 =	sld [smem:$0x3FB3];
	_ =	sdelay $0x3  }
0x33: {  	p0 =	seq.s32 s10, $0x1;
	s10 =	sld [smem:$0x3FB5];
	_ =	sdelay $0x3  }
0x34: {  	[smem:$0x3FB5] =	sst s10  }
0x35: {  	s10 =	sld [smem:$0x3FB4];
	_ =	sdelay $0x3  }
0x36: {  	p1 =	seq.s32 s10, $0x1;
	s10 =	sld [smem:$0x3FB5];
	_ =	sdelay $0x3  }
0x37: {  	[smem:$0x3FB5] =	sst s10  }
0x38: {  	s10 =	sld [smem:$0x3FB6]  }
0x39: {  	_ = 	snop;
	(pc) =	sbr.ind lr, $3  }
0x3a: {  	_ = 	snop  }
0x3b: {  	_ = 	snop  }
0x3c: {  	p2 =	seq.s32 s10, $0x1;
	s10 =	sld [smem:$0x3FB5]  }
0x3d: {  	_ =	shalt  }
0x3e: {  	_ =	shalt  }
0x3f: {  	_ =	shalt  }
0x40: {  	_ =	shalt  }
0x41: {  	_ =	shalt  }
0x42: {  	_ =	shalt  }
0x43: {  	_ =	shalt  }
0x44: {  	_ =	shalt  }
0x45: {  	_ =	shalt  }
0x46: {  	_ =	shalt  }
0x47: {  	_ =	shalt  }
0x48: {  	_ =	shalt  }
0x49: {  	_ =	shalt  }
0x4a: {  	_ =	shalt  }
0x4b: {  	_ =	shalt  }
0x4c: {  	_ =	shalt  }
0x4d: {  	_ =	shalt  }
0x4e: {  	_ =	shalt  }
0x4f: {  	_ =	shalt  }
0x50: {  	_ =	shalt  }
0x51: {  	_ =	shalt  }
0x52: {  	_ =	shalt  }
0x53: {  	_ =	shalt  }
0x54: {  	_ =	shalt  }
0x55: {  	_ =	shalt  }
0x56: {  	_ =	shalt  }
0x57: {  	_ =	shalt  }
0x58: {  	_ =	shalt  }
0x59: {  	_ =	shalt  }
0x5a: {  	_ =	shalt  }
0x5b: {  	_ =	shalt  }
0x5c: {  	_ =	shalt  }
0x5d: {  	_ =	shalt  }
0x5e: {  	_ =	shalt  }
0x5f: {  	_ =	shalt  }
0x60: {  	_ =	shalt  }
0x61: {  	_ =	shalt  }
0x62: {  	_ =	shalt  }
0x63: {  	_ =	shalt  }
0x64: {  	_ =	shalt  }
0x65: {  	_ =	shalt  }
0x66: {  	_ =	shalt  }
0x67: {  	_ =	shalt  }
0x68: {  	_ =	shalt  }
0x69: {  	_ =	shalt  }
0x6a: {  	_ =	shalt  }
0x6b: {  	_ =	shalt  }
0x6c: {  	_ =	shalt  }
0x6d: {  	_ =	shalt  }
0x6e: {  	_ =	shalt  }
0x6f: {  	_ =	shalt  }
0x70: {  	_ =	shalt  }
0x71: {  	_ =	shalt  }
0x72: {  	_ =	shalt  }
0x73: {  	_ =	shalt  }
0x74: {  	_ =	shalt  }
0x75: {  	_ =	shalt  }
0x76: {  	_ =	shalt  }
0x77: {  	_ =	shalt  }
0x78: {  	_ =	shalt  }
0x79: {  	_ =	shalt  }
0x7a: {  	_ =	shalt  }
0x7b: {  	_ =	shalt  }
0x7c: {  	_ =	shalt  }
0x7d: {  	_ =	shalt  }
0x7e: {  	_ =	shalt  }
0x7f: {  	_ =	shalt  }
0x80: {  	_ =	shalt  }
0x81: {  	_ =	shalt  }
0x82: {  	_ =	shalt  }
0x83: {  	_ =	shalt  }
0x84: {  	_ =	shalt  }
0x85: {  	_ =	shalt  }
0x86: {  	_ =	shalt  }
0x87: {  	_ =	shalt  }
.Lfunc_end0:
.L_simem_size_0:
called_computation_lowered:
.L_overlay_start_0:
0x88: {  	s2 =	sld [smem:$0x3FD9]  }
0x89: {  	s3 =	sld [smem:$0x3FFE];
	_ =	sdelay $0x1  }
0x8a: {  	s1 =	srdreg.scid  }
0x8b: {  	s0 =	sand.u32 $0x1, s1  }
0x8c: {  	s17 =	sshll.u32 s0, $0xA;
	s2 =	sadd.s32 s3, s2  }
0x8d: {  	s2 =	sadd.s32 s2, s17  }
0x8e: {  	[smem:$0x3FC1] =	sst s2  }
0x8f: {  	_ = 	snop  }
0x90: {  	s2 =	sld [smem:$0x3FD0];
	(tm) =	ssettm $0x1  }
0x91: {  	s18 =	sld [smem:$0x3FFB];
	_ =	sdelay $0x3  }
0x92: {  	_ =	strace s18  }
0x93: {  	s3 =	sld [smem:$0x3FFC];
	_ =	sdelay $0x3  }
0x94: {  	_ =	strace s3  }
0x95: {  	s3 =	sld [smem:$0x3FFD];
	_ =	sdelay $0x3  }
0x96: {  	_ =	strace s3  }
0x97: {  	_ =	strace $0x8FFFFFFF  }
0x98: {  	s19 =	sld [smem:$0x3FDB];
	_ =	sdelay $0x1  }
0x99: {  	s4 =	simm.s32 $_scs_section_size  }
0x9a: {  	s5 =	simm.s32 $_size__tile_overlayer_lowered;
	s6 =	simm.s32 $_tile_overlayer_lowered  }
0x9b: {  	s22 =	simm.s32 $0x1BFF;
	s21 =	sshll.u32 s6, $0x1;
	s3 =	sadd.s32 s4, s19  }
0x9c: {  	s7 =	simm.s32 $0x0;
	s20 =	sshll.u32 s5, $0x1;
	s5 =	sadd.s32 s21, s3  }
0x9d: {  	[timem:s7], [sflag:s22] =	dma.local [hbm:s5], s20  }
0x9e: {  	_ =	swait.ge [sflag:s22], s20  }
0x9f: {  	s4 =	ssub.s32 $0x0, s20;
	[sflag:s22] =	ssyncset.done $0x0  }
0xa0: {  	[sflag:s22] =	ssyncadd.s32 s4;
	_ =	sdelay $0x1  }
0xa1: {  	s23 =	simm.s32 $0x1B8B  }
0xa2: {  	_ =	swait.ge [sflag:s23], $0x1  }
0xa3: {  	[sflag:s23] =	ssyncset.done $0x0  }
0xa4: {  	s25 =	simm.s32 $0x1B8E;
	s24 =	sld [smem:$0x3FFE];
	[sflag:s23] =	ssyncadd.s32 $0xFFFFFFFF  }
0xa5: {  	s26 =	simm.s32 $execute0_lowered;
	[smem:$0x3FD2] =	sst s25  }
0xa6: {  	s5 =	sshll.u32 s26, $0x1;
	_ =	strace $0x80000046;
	[dreg:$0x1] =	wrdreg $0xFFFFFFFF  }
0xa7: {  	s28 =	simm.s32 $_size_execute0_lowered;
	s3 =	sadd.s32 s3, s5;
	[dreg:$0x0] =	wrdreg $0x0  }
0xa8: {  	s5 =	sshll.u32 s28, $0x1;
	[dreg:$0x2] =	wrdreg s3  }
0xa9: {  	[dreg:$0x3] =	wrdreg s5  }
0xaa: {  	[dreg:$0x4] =	wrdreg $0xC0  }
0xab: {  	_ =	task [dreg:s7], $0x5FFFF  }
0xac: {  	[dreg:$0x1] =	wrdreg $0xFFFFFFFF  }
0xad: {  	[dreg:$0x0] =	wrdreg $0x60  }
0xae: {  	[dreg:$0x2] =	wrdreg s2  }
0xaf: {  	[dreg:$0x3] =	wrdreg s24  }
0xb0: {  	[dreg:$0x4] =	wrdreg $0x9  }
0xb1: {  	_ =	task.clear_ibuf [dreg:s7], $0x5FFFF;
	_ =	strace $0x90000046  }
0xb2: {  	s29 =	simm.s32 $0x9;
	_ =	strace $0x80000048  }
0xb3: {  	_ =	swait.ge [sflag:s29], $0x1  }
0xb4: {  	[sflag:s29] =	ssyncadd.s32 $0xFFFFFFFF  }
0xb5: {  	_ =	strace $0x90000048  }
0xb6: {  	_ =	sfence  }
0xb7: {  	s30 =	sld [smem:$0x0];
	_ =	sdelay $0x2  }
0xb8: {  	s31 =	sshll.u32 s1, $0xD;
	s1 =	sshrl.u32 s1, $0x2  }
0xb9: {  	s3 =	sand.u32 $0x4000, s31;
	s1 =	sadd.s32 s1, s30  }
0xba: {  	s0 =	sor.u32 s3, s0;
	s1 =	sshll.u32 s1, $0x11  }
0xbb: {  	s0 =	sor.u32 s1, s0  }
0xbc: {  	s0 =	sadd.s32 $0x8F2B, s0  }
0xbd: {  	[sflag:s0] =	ssyncadd.remote.s32 $0x1  }
0xbe: {  	_ =	sfence.sel $0xFFFF  }
0xbf: {  	[dreg:$0x0] =	wrdreg $0xFFFFFFFF;
	(pc) =	sbr.abs _section_cstart, $3  }
0xc0: {  	[dreg:$0x1] =	wrdreg $0xFFFFFFFF  }
0xc1: {  	_ =	task.clear_ibuf [dreg:s7], $0x2FFFF;
	_ =	strace $0x9FFFFFFF  }
0xc2: {  	(tm) =	ssettm $0x7FFFFFFF  }
0xc3: {  	_ =	shalt  }
tec
execute0_lowered:
.L_overlay_start_1:
0x0: {  	(tag) =	ssettag $0x1  }
0x1: {  	s1 =	rddreg [dreg:$0x0]  }
0x2: {  	s4 =	rddreg [dreg:$0x1]  }
0x3: {  	s0 =	rddreg [dreg:$0x2];
	s5 =	srdreg.scid  }
0x4: {  	s3 =	simm.s32 $0x0;
	s2 =	stileid.u32;
	s10 =	simm.s32 $0x0  }
0x5: {  	s5 =	sand.u32 $0x1, s5;
	[smem:$0x7FF] =	sst s3;
	s6 =	sshll.u32 s2, $0xC  }
0x6: {  	s8 =	sshll.u32 s2, $0x10;
	s7 =	sshll.u32 s5, $0xB;
	_ =	strace $0x80000047  }
0x7: {  	s31 =	ssub.s32 $0x2, s5;
	s8 =	sadd.s32 s8, s4;
	s5 =	sshll.u32 s5, $0xF  }
0x8: {  	s6 =	sor.u32 s7, s6;
	s9 =	sshrl.u32 s31, $0x1;
	s5 =	sadd.s32 s5, s8  }
0x9: {  	s8 =	simm.s32 $0x80;
	s6 =	sshrl.u32 s6, $0x3;
	s7 =	ssub.s32 s31, s9  }
0xa: {  	s5 =	sadd.s32 $0x2E00, s5;
	s9 =	simm.s32 $0x1;
	s6 =	sadd.s32 s6, s4  }
0xb: {  	s4 =	smax.u32 s7, $0x1;
	s7 =	simm.s32 $0x2;
	s6 =	sadd.s32 $0xE00, s6  }
.LBB2_1:
0xc: {  	s11 =	sadd.s32 $0x0, s6  }
0xd: {  	[tilespmem:s3], [sflag:$0x2] =	stream.linear.gather [hbm4b:s11+s3], $0x80, $0x38;
	[tilespmem:$0x4080] =	vst v63  }
0xe: {  	_ =	swait.ge [sflag:s7], $0x80  }
0xf: {  	[sflag:s7] =	ssyncset.done $0x0  }
0x10: {  	[sflag:s7] =	ssyncadd.s32 $0xFFFFFF80  }
0x11: {  	[tilespmem:s8], [sflag:$0x1] =	stream.indirect.gather [hbm4b:s1+s8], $0x80, s3, s8, $0xb8;
	[tilespmem:$0x4080] =	vst v63  }
0x12: {  	_ =	swait.ge [sflag:s9], $0x4000  }
0x13: {  	[sflag:s9] =	ssyncset.done $0x0  }
0x14: {  	[sflag:s9] =	ssyncadd.s32 $0xFFFFC000  }
0x15: {  	[hbm4b:s5+s3] =	stream.linear.scatter [tilespmem:s8], [sflag:$0x2], $0x4000, $0x38;
	[tilespmem:$0x4080] =	vst v63  }
0x16: {  	s12 =	simm.s32 $0x10;
	_ =	swait.ge [sflag:s7], $0x4000  }
0x17: {  	s13 =	simm.s32 $0x20;
	s11 =	sadd.s32 $0x800, s5;
	[sflag:s7] =	ssyncset.done $0x0  }
.LBB2_2:
0x18: {  	s14 =	sadd.s32 s12, s6  }
0x19: {  	[sflag:s7] =	ssyncadd.s32 $0xFFFFC000;
	s12 =	smov.u32 s13;
	s15 =	sadd.s32 $0x10, s13  }
0x1a: {  	[tilespmem:s3], [sflag:$0x2] =	stream.linear.gather [hbm4b:s14+s3], $0x80, $0x38;
	[tilespmem:$0x4080] =	vst v63  }
0x1b: {  	p0 =	sne.s32 s13, $0xF0;
	_ =	swait.ge [sflag:s7], $0x80  }
0x1c: {  	[sflag:s7] =	ssyncset.done $0x0  }
0x1d: {  	[sflag:s7] =	ssyncadd.s32 $0xFFFFFF80  }
0x1e: {  	[tilespmem:s8], [sflag:$0x1] =	stream.indirect.gather [hbm4b:s1+s8], $0x80, s3, s8, $0xb8;
	[tilespmem:$0x4080] =	vst v63  }
0x1f: {  	_ =	swait.ge [sflag:s9], $0x4000  }
.Ltmp0:
0x20: {  	[sflag:s9] =	ssyncset.done $0x0;
	(pc) =	sbr.rel @p0 .LBB2_2-.Ltmp0, $4  }
0x21: {  	[sflag:s9] =	ssyncadd.s32 $0xFFFFC000  }
0x22: {  	[hbm4b:s11+s3] =	stream.linear.scatter [tilespmem:s8], [sflag:$0x2], $0x4000, $0x38;
	[tilespmem:$0x4080] =	vst v63  }
0x23: {  	_ =	swait.ge [sflag:s7], $0x4000  }
0x24: {  	s13 =	smov.u32 s15;
	s11 =	sadd.s32 $0x800, s11;
	[sflag:s7] =	ssyncset.done $0x0  }
0x25: {  	s12 =	sadd.s32 s12, s6;
	[sflag:s7] =	ssyncadd.s32 $0xFFFFC000  }
0x26: {  	[tilespmem:s3], [sflag:$0x2] =	stream.linear.gather [hbm4b:s12+s3], $0x80, $0x38;
	[tilespmem:$0x4080] =	vst v63  }
0x27: {  	_ =	swait.ge [sflag:s7], $0x80  }
0x28: {  	[sflag:s7] =	ssyncset.done $0x0  }
0x29: {  	[sflag:s7] =	ssyncadd.s32 $0xFFFFFF80  }
0x2a: {  	[tilespmem:s8], [sflag:$0x1] =	stream.indirect.gather [hbm4b:s1+s8], $0x80, s3, s8, $0xb8;
	[tilespmem:$0x4080] =	vst v63  }
0x2b: {  	s10 =	sadd.s32 $0x1, s10;
	_ =	swait.ge [sflag:s9], $0x4000  }
0x2c: {  	p0 =	sne.s32 s10, s4;
	[sflag:s9] =	ssyncset.done $0x0  }
.Ltmp1:
0x2d: {  	[sflag:s9] =	ssyncadd.s32 $0xFFFFC000;
	(pc) =	sbr.rel @p0 .LBB2_1-.Ltmp1, $4  }
0x2e: {  	[hbm4b:s11+s3] =	stream.linear.scatter [tilespmem:s8], [sflag:$0x2], $0x4000, $0x38;
	[tilespmem:$0x4080] =	vst v63  }
0x2f: {  	_ =	swait.ge [sflag:s7], $0x4000  }
0x30: {  	[sflag:s7] =	ssyncset.done $0x0  }
0x31: {  	[sflag:s7] =	ssyncadd.s32 $0xFFFFC000  }
0x32: {  	_ =	sfence.sel $0x180000  }
0x33: {  	[bflag:$0x0] =	sbarrier.arrive $0xFFFF  }
0x34: {  	p0 =	sne.s32 s2, $0x0;
	_ =	strace $0x90000047  }
0x35: {  	s0 =	sadd.s32 @!p0 $0x100000, s0;
	[bflag:$0x2] =	sbarrier.arrive $0xFFFF  }
0x36: {  	[sflag:s0] =	ssyncadd.tile.s32 @!p0 $0x1;
	_ =	shalt  }
.Lfunc_end2:
_tile_overlayer_lowered:
.L_overlay_start_2:
0x37: {  	(tag) =	ssettag $0x2  }
0x38: {  	s0 =	rddreg [dreg:$0x0];
	s2 =	stileid.u32  }
0x39: {  	s1 =	rddreg [dreg:$0x1];
	p0 =	sne.s32 s2, $0x0  }
0x3a: {  	s3 =	rddreg [dreg:$0x2];
	[bflag:$0x3] =	sbarrier.arrive $0xFFFF;
	s2 =	simm.s32 @!p0 $0x1C02  }
0x3b: {  	[timem:s3], [sflag:s2] =	dma.local @!p0 [hbm:s0], s1  }
0x3c: {  	s0 =	simm.s32 @!p0 $0x2  }
0x3d: {  	_ =	swait.ge @!p0 [sflag:s0], s1  }
0x3e: {  	s1 =	ssub.s32 @!p0 $0x0, s1;
	[sflag:s0] =	ssyncset.done @!p0 $0x0  }
0x3f: {  	[sflag:s0] =	ssyncadd.s32 @!p0 s1  }
0x40: {  	[bflag:$0x3] =	sbarrier.arrive $0xFFFF  }
0x41: {  	_ =	shalt  }

</sc_bundles>
